<compile_context>
chip_gen: v7x
topology: tpu7x:2x2x1
jax: 0.10.2.dev20260603
libtpu: 0.0.44.dev20260713+nightly
codegen_flags: <defaults>
</compile_context>

<pallas_src>
import functools

import jax
import jax.numpy as jnp
from jax import lax
from jax.experimental import pallas as pl
from jax.experimental.pallas import tpu as pltpu
from jax.experimental.pallas import tpu_sc as plsc

N = 10000
E = 160000
G = 64
N_PAD = 10240
E_PAD = 163840
BLK = 512
EBLK = 2048
NBLKS = N_PAD // BLK
EBLKS = E_PAD // EBLK
CHUNK = 128
NCHUNKS = E_PAD // (32 * CHUNK)
HC = 128
ZROWS = 64
F32 = jnp.float32


def _prep_body(we, be, wp0, bp0, wp1, bp1, a1, c1, a2, c2):
    a1_v = jnp.dot(we[...], wp0[...], preferred_element_type=F32)
    c1_v = jnp.dot(be[...], wp0[...], preferred_element_type=F32) + bp0[...]
    a1[...] = a1_v
    c1[...] = c1_v
    a2[...] = jnp.dot(a1_v, wp1[...], preferred_element_type=F32)
    c2[...] = jnp.dot(c1_v, wp1[...], preferred_element_type=F32) + bp1[...]


def _prep(we, be, wp0, bp0, wp1, bp1):
    return pl.pallas_call(
        _prep_body,
        out_shape=[
            jax.ShapeDtypeStruct((16, 128), F32),
            jax.ShapeDtypeStruct((1, 128), F32),
            jax.ShapeDtypeStruct((16, 64), F32),
            jax.ShapeDtypeStruct((1, 64), F32),
        ],
    )(we, be, wp0, bp0, wp1, bp1)


def _mm_body(x_ref, w_ref, b_ref, o_ref):
    o_ref[...] = (
        jnp.dot(x_ref[...], w_ref[...], preferred_element_type=F32) + b_ref[...]
    )


def _matmul_rows(x, w, b, blk):
    rows, fin = x.shape
    fout = w.shape[1]
    grid = rows // blk
    return pl.pallas_call(
        _mm_body,
        grid=(grid,),
        in_specs=[
            pl.BlockSpec((blk, fin), lambda i: (i, 0)),
            pl.BlockSpec((fin, fout), lambda i: (0, 0)),
            pl.BlockSpec((1, fout), lambda i: (0, 0)),
        ],
        out_specs=pl.BlockSpec((blk, fout), lambda i: (i, 0)),
        out_shape=jax.ShapeDtypeStruct((rows, fout), F32),
    )(x, w, b)


def _sc_msg_body(x_hbm, e_hbm, src_hbm, dst_hbm, out_hbm,
                 src_v, dst_v, xg_v, zb_v, acc_sh, sem):
    c = lax.axis_index("c")
    s = lax.axis_index("s")
    nj = HC // 16
    zero16 = jnp.zeros((16,), F32)

    def zrow(i, _):
        for j in range(nj):
            zb_v[i, pl.ds(16 * j, 16)] = zero16
        return 0
    lax.fori_loop(0, ZROWS, zrow, 0)
    stripe = 640 * s

    def zcopy(t, _):
        pltpu.sync_copy(zb_v, acc_sh.at[pl.ds(stripe + t * ZROWS, ZROWS)])
        return 0
    lax.fori_loop(0, 640 // ZROWS, zcopy, 0)
    plsc.subcore_barrier()

    wrow = (c * 16 + s) * NCHUNKS
    pltpu.sync_copy(src_hbm.at[pl.ds(wrow, NCHUNKS)], src_v)
    pltpu.sync_copy(dst_hbm.at[pl.ds(wrow, NCHUNKS)], dst_v)

    def chunk(k, _):
        pltpu.sync_copy(e_hbm.at[pl.ds((wrow + k) * CHUNK, CHUNK)], xg_v)
        pltpu.async_copy(x_hbm.at[src_v.at[k]], xg_v, sem, add=True).wait()

        def row(i, _):
            for j in range(nj):
                xg_v[i, pl.ds(16 * j, 16)] = jnp.maximum(
                    xg_v[i, pl.ds(16 * j, 16)], 0.0)
            return 0
        lax.fori_loop(0, CHUNK, row, 0)
        pltpu.sync_copy(xg_v, acc_sh.at[dst_v.at[k]], add=True)
        return 0

    lax.fori_loop(0, NCHUNKS, chunk, 0)
    plsc.subcore_barrier()
    pltpu.sync_copy(acc_sh.at[pl.ds(640 * s, 640)],
                    out_hbm.at[c, pl.ds(640 * s, 640)])


@jax.jit
def _sc_msg(x_part, e_part, src_r, dst_r):
    mesh = plsc.VectorSubcoreMesh(core_axis_name="c", subcore_axis_name="s")
    return pl.kernel(
        _sc_msg_body,
        out_type=jax.ShapeDtypeStruct((2, N_PAD, HC), F32),
        mesh=mesh,
        scratch_types=[
            pltpu.VMEM((NCHUNKS, CHUNK), jnp.int32),
            pltpu.VMEM((NCHUNKS, CHUNK), jnp.int32),
            pltpu.VMEM((CHUNK, HC), F32),
            pltpu.VMEM((ZROWS, HC), F32),
            pltpu.VMEM_SHARED((N_PAD, HC), F32),
            pltpu.SemaphoreType.DMA,
        ],
    )(x_part, e_part, src_r, dst_r)


def _layerA_body(x_ref, p_ref, w1, b1, w2, b2, y_ref, st_ref):
    i = pl.program_id(0)
    h = x_ref.shape[1]
    h1 = x_ref[...] + p_ref[0] + p_ref[1]
    t = jnp.maximum(
        jnp.dot(h1, w1[...], preferred_element_type=F32) + b1[...], 0.0)
    y = jnp.dot(t, w2[...], preferred_element_type=F32) + b2[...]
    y_ref[...] = y
    row = i * BLK + lax.broadcasted_iota(jnp.int32, (BLK, 1), 0)
    m = jnp.where(row < N, 1.0, 0.0).astype(F32)
    ym = y * m
    s0 = jnp.sum(ym, axis=0, keepdims=True)
    s1 = jnp.sum(ym * y, axis=0, keepdims=True)
    upd = jnp.concatenate([s0, s1, jnp.zeros((6, h), F32)], axis=0)

    @pl.when(i == 0)
    def _init():
        st_ref[...] = jnp.zeros_like(st_ref)

    st_ref[...] += upd


def _layerA(x, parts, w1, b1, w2, b2):
    h = x.shape[1]
    return pl.pallas_call(
        _layerA_body,
        grid=(NBLKS,),
        in_specs=[
            pl.BlockSpec((BLK, h), lambda i: (i, 0)),
            pl.BlockSpec((2, BLK, h), lambda i: (0, i, 0)),
            pl.BlockSpec((h, h), lambda i: (0, 0)),
            pl.BlockSpec((1, h), lambda i: (0, 0)),
            pl.BlockSpec((h, h), lambda i: (0, 0)),
            pl.BlockSpec((1, h), lambda i: (0, 0)),
        ],
        out_specs=[
            pl.BlockSpec((BLK, h), lambda i: (i, 0)),
            pl.BlockSpec((8, h), lambda i: (0, 0)),
        ],
        out_shape=[
            jax.ShapeDtypeStruct((N_PAD, h), F32),
            jax.ShapeDtypeStruct((8, h), F32),
        ],
    )(x, parts, w1, b1, w2, b2)


def _layerB_body(proj, y_ref, st_ref, g_ref, be_ref, *rest):
    if proj:
        wp, bp, o_ref = rest
    else:
        (o_ref,) = rest
    mean = st_ref[0:1, :] * (1.0 / N)
    var = st_ref[1:2, :] * (1.0 / N) - mean * mean
    inv = lax.rsqrt(var + 1e-5)
    xn = jnp.maximum((y_ref[...] - mean) * inv * g_ref[...] + be_ref[...], 0.0)
    if proj:
        o_ref[...] = (
            jnp.dot(xn, wp[...], preferred_element_type=F32) + bp[...])
    else:
        o_ref[...] = xn


def _layerB(y, st, gamma, beta, wp=None, bp=None):
    h = y.shape[1]
    proj = wp is not None
    h2 = wp.shape[1] if proj else h
    in_specs = [
        pl.BlockSpec((BLK, h), lambda i: (i, 0)),
        pl.BlockSpec((8, h), lambda i: (0, 0)),
        pl.BlockSpec((1, h), lambda i: (0, 0)),
        pl.BlockSpec((1, h), lambda i: (0, 0)),
    ]
    args = [y, st, gamma, beta]
    if proj:
        in_specs += [
            pl.BlockSpec((h, h2), lambda i: (0, 0)),
            pl.BlockSpec((1, h2), lambda i: (0, 0)),
        ]
        args += [wp, bp]
    return pl.pallas_call(
        functools.partial(_layerB_body, proj),
        grid=(NBLKS,),
        in_specs=in_specs,
        out_specs=pl.BlockSpec((BLK, h2), lambda i: (i, 0)),
        out_shape=jax.ShapeDtypeStruct((N_PAD, h2), F32),
    )(*args)


def _pool_body(x_ref, b_ref, p_ref, c_ref):
    i = pl.program_id(0)
    b = b_ref[0, 0, :]
    oh = jnp.where(
        b[:, None] == lax.broadcasted_iota(jnp.int32, (BLK, G), 1), 1.0, 0.0
    ).astype(F32)
    psum = lax.dot_general(oh, x_ref[...], (((0,), (0,)), ((), ())),
                           preferred_element_type=F32)
    cnt = jnp.sum(oh, axis=0, keepdims=True)
    cupd = jnp.concatenate([cnt, jnp.zeros((7, G), F32)], axis=0)

    @pl.when(i == 0)
    def _init():
        p_ref[...] = jnp.zeros_like(p_ref)
        c_ref[...] = jnp.zeros_like(c_ref)

    p_ref[...] += psum
    c_ref[...] += cupd


def _pool(x, batch_r):
    h = x.shape[1]
    return pl.pallas_call(
        _pool_body,
        grid=(NBLKS,),
        in_specs=[
            pl.BlockSpec((BLK, h), lambda i: (i, 0)),
            pl.BlockSpec((1, 1, BLK), lambda i: (i, 0, 0)),
        ],
        out_specs=[
            pl.BlockSpec((G, h), lambda i: (0, 0)),
            pl.BlockSpec((8, G), lambda i: (0, 0)),
        ],
        out_shape=[
            jax.ShapeDtypeStruct((G, h), F32),
            jax.ShapeDtypeStruct((8, G), F32),
        ],
    )(x, batch_r)


def _head_body(p_ref, c_ref, ex_ref, ew1, eb1, ew2, eb2, hw1, hb1, hw2r, hb2,
               o_ref):
    ge = p_ref[...] / jnp.maximum(c_ref[0:1, :], 1.0).reshape(G, 1)
    ee = jnp.maximum(
        jnp.dot(ex_ref[...], ew1[...], preferred_element_type=F32) + eb1[...],
        0.0)
    ee = jnp.dot(ee, ew2[...], preferred_element_type=F32) + eb2[...]
    comb = jnp.concatenate([ge, ee], axis=1)
    hh = jnp.maximum(
        jnp.dot(comb, hw1[...], preferred_element_type=F32) + hb1[...], 0.0)
    o = jnp.sum(hh * hw2r[...], axis=1, keepdims=True).reshape(1, G)
    o_ref[...] = jnp.concatenate(
        [o + hb2[...], jnp.zeros((7, G), F32)], axis=0)


def _head(pooled, cnts, ex, ew1, eb1, ew2, eb2, hw1, hb1, hw2r, hb2):
    return pl.pallas_call(
        _head_body,
        out_shape=jax.ShapeDtypeStruct((8, G), F32),
    )(pooled, cnts, ex, ew1, eb1, ew2, eb2, hw1, hb1, hw2r, hb2)


def _r1(v):
    return v.reshape(1, -1)


@jax.jit
def _run(x, edge_attr, externals, params, edge_index, batch):
    xp = jnp.zeros((N_PAD, 256), F32).at[:N].set(x)
    ea = jnp.zeros((E_PAD, 16), F32).at[:E].set(edge_attr)
    src = jnp.zeros((E_PAD,), jnp.int32).at[:E].set(edge_index[0].astype(jnp.int32))
    dst = jnp.full((E_PAD,), N_PAD - 1, jnp.int32).at[:E].set(
        edge_index[1].astype(jnp.int32))
    src = src.reshape(E_PAD // CHUNK, CHUNK)
    dst = dst.reshape(E_PAD // CHUNK, CHUNK)
    batch_p = jnp.full((N_PAD,), G, jnp.int32).at[:N].set(batch.astype(jnp.int32))
    batch_r = batch_p.reshape(NBLKS, 1, BLK)

    we, be = params['edge_enc']
    wp0e, bp0e = params['eprojs'][0]
    wp1e, bp1e = params['eprojs'][1]
    a1, c1, a2, c2 = _prep(we, _r1(be), wp0e, _r1(bp0e), wp1e, _r1(bp1e))

    wn, bn = params['node_enc']
    h = _matmul_rows(xp, wn, _r1(bn), BLK)

    edge_mats = [(we, _r1(be)), (a1, c1), (a2, c2)]
    widths = [256, 128, 64]
    for i in range(3):
        hw = widths[i]
        A, cvec = edge_mats[i]
        if hw > HC:
            plist = []
            for j in range(hw // HC):
                e_j = _matmul_rows(ea, A[:, j * HC:(j + 1) * HC],
                                   cvec[:, j * HC:(j + 1) * HC], EBLK)
                plist.append(_sc_msg(h[:, j * HC:(j + 1) * HC], e_j, src, dst))
            parts = jnp.concatenate(plist, axis=2)
        elif hw == HC:
            e_i = _matmul_rows(ea, A, cvec, EBLK)
            parts = _sc_msg(h, e_i, src, dst)
        else:
            ap = jnp.zeros((16, HC), F32).at[:, :hw].set(A)
            cp = jnp.zeros((1, HC), F32).at[:, :hw].set(cvec)
            e_i = _matmul_rows(ea, ap, cp, EBLK)
            xpad = jnp.zeros((N_PAD, HC), F32).at[:, :hw].set(h)
            parts = _sc_msg(xpad, e_i, src, dst)[:, :, :hw]
        w1, b1, w2, b2 = params['convs'][i]
        y, st = _layerA(h, parts, w1, _r1(b1), w2, _r1(b2))
        gamma, beta = params['bns'][i]
        if i < 2:
            wp, bp = params['projs'][i]
            h = _layerB(y, st, _r1(gamma), _r1(beta), wp, _r1(bp))
        else:
            h = _layerB(y, st, _r1(gamma), _r1(beta))

    pooled, cnts = _pool(h, batch_r)
    ew1, eb1, ew2, eb2 = params['ext']
    hw1, hb1, hw2, hb2 = params['head']
    out = _head(pooled, cnts, externals,
                ew1, _r1(eb1), ew2, _r1(eb2),
                hw1, _r1(hb1), _r1(hw2[:, 0]),
                jnp.broadcast_to(hb2.reshape(1, 1), (1, G)))
    return out[0]


def kernel(x, edge_attr, externals, params, edge_index, batch):
    return _run(x, edge_attr, externals, params, edge_index, batch)

# --- scband reference (transcript-rebuilt; emitter-appended) ---
"""Pipeline reference for scband-gine-regression-trapezoid-55774445306257 (READ-ONLY COPY).

The authoritative reference and input builder live on the scoring server;
editing this copy changes nothing except your own understanding.
"""

import jax, jax.numpy as jnp
import numpy as np

N = 10000
E = 160000
NODE_IN = 256
EDGE_IN = 16
EXT_IN = 32
G = 64
HIDDEN = [256, 128, 64]


def _lin(key, fi, fo):
    k1, k2 = jax.random.split(key)
    lim = 1.0 / np.sqrt(fi)
    W = jax.random.uniform(k1, (fi, fo), minval=-lim, maxval=lim, dtype=jnp.float32)
    b = jax.random.uniform(k2, (fo,), minval=-lim, maxval=lim, dtype=jnp.float32)
    return (W, b)


def setup_inputs(seed: int = 0) -> dict:
    key = jax.random.key(seed)
    ks = jax.random.split(key, 32)
    x = jax.random.normal(ks[0], (N, NODE_IN), dtype=jnp.float32)
    edge_index = jax.random.randint(ks[1], (2, E), 0, N)
    edge_attr = jax.random.normal(ks[2], (E, EDGE_IN), dtype=jnp.float32)
    batch = jnp.sort(jax.random.randint(ks[3], (N,), 0, G))
    externals = jax.random.normal(ks[4], (G, EXT_IN), dtype=jnp.float32)
    params = {}
    params['node_enc'] = _lin(ks[5], NODE_IN, HIDDEN[0])
    params['edge_enc'] = _lin(ks[6], EDGE_IN, HIDDEN[0])
    convs = []
    bns = []
    projs = []
    eprojs = []
    ki = 7
    for i, h in enumerate(HIDDEN):
        W1, b1 = _lin(ks[ki], h, h); ki += 1
        W2, b2 = _lin(ks[ki], h, h); ki += 1
        convs.append((W1, b1, W2, b2))
        bns.append((jnp.ones((h,), jnp.float32), jnp.zeros((h,), jnp.float32)))
        if i < len(HIDDEN) - 1:
            projs.append(_lin(ks[ki], h, HIDDEN[i + 1])); ki += 1
            eprojs.append(_lin(ks[ki], h, HIDDEN[i + 1])); ki += 1
    params['convs'] = convs
    params['bns'] = bns
    params['projs'] = projs
    params['eprojs'] = eprojs
    W1, b1 = _lin(ks[ki], EXT_IN, HIDDEN[-1]); ki += 1
    W2, b2 = _lin(ks[ki], HIDDEN[-1], HIDDEN[-1]); ki += 1
    params['ext'] = (W1, b1, W2, b2)
    W1, b1 = _lin(ks[ki], 2 * HIDDEN[-1], HIDDEN[-1]); ki += 1
    W2, b2 = _lin(ks[ki], HIDDEN[-1], 1); ki += 1
    params['head'] = (W1, b1, W2, b2)
    return {'x': x, 'edge_attr': edge_attr, 'externals': externals, 'params': params,
            'edge_index': edge_index, 'batch': batch}


def _forward(x, edge_attr, externals, params, edge_index, batch):
    W, b = params['node_enc']
    x = x @ W + b
    W, b = params['edge_enc']
    e = edge_attr @ W + b
    src, dst = edge_index[0], edge_index[1]
    n_layers = len(params['convs'])
    for i in range(n_layers):
        W1, b1, W2, b2 = params['convs'][i]
        # GINEConv: message = relu(x_src + edge_emb), sum-aggregate at dst, eps=0
        msg = jax.nn.relu(x[src] + e)
        agg = jax.ops.segment_sum(msg, dst, num_segments=x.shape[0])
        h = x + agg
        h = jax.nn.relu(h @ W1 + b1) @ W2 + b2
        gamma, beta = params['bns'][i]
        mean = jnp.mean(h, axis=0)
        var = jnp.var(h, axis=0)
        h = (h - mean) / jnp.sqrt(var + 1e-5) * gamma + beta
        x = jax.nn.relu(h)
        # dropout is identity in eval
        if i < n_layers - 1:
            Wp, bp = params['projs'][i]
            x = x @ Wp + bp
            We, be = params['eprojs'][i]
            e = e @ We + be
    sums = jax.ops.segment_sum(x, batch, num_segments=G)
    counts = jax.ops.segment_sum(jnp.ones((x.shape[0],), jnp.float32), batch, num_segments=G)
    graph_emb = sums / jnp.maximum(counts, 1.0)[:, None]
    W1, b1, W2, b2 = params['ext']
    ext_emb = jax.nn.relu(externals @ W1 + b1) @ W2 + b2
    combined = jnp.concatenate([graph_emb, ext_emb], axis=-1)
    W1, b1, W2, b2 = params['head']
    out = (jax.nn.relu(combined @ W1 + b1) @ W2 + b2).squeeze(-1)
    return out


def reference(x, edge_attr, externals, params, edge_index, batch):
    return _forward(x, edge_attr, externals, params, edge_index, batch)

if __name__ == "__main__":
    import jax
    _d = setup_inputs()
    print(jax.jit(kernel)(*tuple(_d.values())))

</pallas_src>

<mosaic_0001>
#map = affine_map<(d0, d1) -> (0, 0)>
#map1 = affine_map<(d0, d1) -> (0, 0, 0)>
module attributes {stable_mosaic.version = 14 : i64} {
  func.func @_sc_msg_body(%arg0: i32, %arg1: i32, %arg2: memref<10240x128xf32, #tpu.memory_space<hbm>>, %arg3: memref<163840x128xf32, #tpu.memory_space<hbm>>, %arg4: memref<1280x128xi32, #tpu.memory_space<hbm>>, %arg5: memref<1280x128xi32, #tpu.memory_space<hbm>>, %arg6: memref<2x10240x128xf32, #tpu.memory_space<hbm>>, %arg7: memref<40x128xi32, #tpu.memory_space<vmem>>, %arg8: memref<40x128xi32, #tpu.memory_space<vmem>>, %arg9: memref<128x128xf32, #tpu.memory_space<vmem>>, %arg10: memref<64x128xf32, #tpu.memory_space<vmem>>, %arg11: memref<10240x128xf32, #tpu.memory_space<vmem_shared>>, %arg12: memref<!tpu.dma_semaphore, #tpu.memory_space<semaphore_mem>>) attributes {dimension_semantics = [#tpu.dimension_semantics<core_parallel>, #tpu.dimension_semantics<subcore_parallel>], iteration_bounds = array<i64: 2, 16>, scalar_prefetch = 0 : i64, scratch_operands = 6 : i64, tpu.core_type = #tpu.core_type<sc_vector_subcore>, window_params = [{transform_indices = #map}, {transform_indices = #map}, {transform_indices = #map}, {transform_indices = #map}, {transform_indices = #map1}]} {
    %broadcast_in_dim3A = arith.constant 0.000000e+00 : f32
    %broadcast_in_dim3A_0 = vector.broadcast %broadcast_in_dim3A : f32 to vector<16xf32>
    %scan3A = arith.constant 0 : i32
    %scan3A_1 = arith.constant 0 : i32
    %scan3A_2 = arith.constant 64 : i32
    %scan3A_3 = arith.addi %scan3A_1, %scan3A_2 : i32
    %scan3A_4 = arith.constant 1 : i32
    %scan3A_5 = scf.for %scan3A_31 = %scan3A_1 to %scan3A_3 step %scan3A_4 iter_args(%scan3A_32 = %scan3A) -> (i32)  : i32 {
      %swap3A = arith.index_cast %scan3A_31 : i32 to index
      %swap3A_33 = arith.constant 0 : index
      %swap3A_34 = tpu.vector_load %arg10[%swap3A, %swap3A_33] {strides = array<i32>} : memref<64x128xf32, #tpu.memory_space<vmem>>, vector<1x16xf32>,
      %swap3A_35 = vector.shape_cast %swap3A_34 : vector<1x16xf32> to vector<16xf32>
      %swap3A_36 = vector.shape_cast %broadcast_in_dim3A_0 : vector<16xf32> to vector<1x16xf32>
      tpu.vector_store %arg10[%swap3A, %swap3A_33], %swap3A_36 {strides = array<i32>} : memref<64x128xf32, #tpu.memory_space<vmem>>, vector<1x16xf32>,
      %swap3A_37 = arith.index_cast %scan3A_31 : i32 to index
      %swap3A_38 = arith.constant 16 : index
      %swap3A_39 = tpu.vector_load %arg10[%swap3A_37, %swap3A_38] {strides = array<i32>} : memref<64x128xf32, #tpu.memory_space<vmem>>, vector<1x16xf32>,
      %swap3A_40 = vector.shape_cast %swap3A_39 : vector<1x16xf32> to vector<16xf32>
      %swap3A_41 = vector.shape_cast %broadcast_in_dim3A_0 : vector<16xf32> to vector<1x16xf32>
      tpu.vector_store %arg10[%swap3A_37, %swap3A_38], %swap3A_41 {strides = array<i32>} : memref<64x128xf32, #tpu.memory_space<vmem>>, vector<1x16xf32>,
      %swap3A_42 = arith.index_cast %scan3A_31 : i32 to index
      %swap3A_43 = arith.constant 32 : index
      %swap3A_44 = tpu.vector_load %arg10[%swap3A_42, %swap3A_43] {strides = array<i32>} : memref<64x128xf32, #tpu.memory_space<vmem>>, vector<1x16xf32>,
      %swap3A_45 = vector.shape_cast %swap3A_44 : vector<1x16xf32> to vector<16xf32>
      %swap3A_46 = vector.shape_cast %broadcast_in_dim3A_0 : vector<16xf32> to vector<1x16xf32>
      tpu.vector_store %arg10[%swap3A_42, %swap3A_43], %swap3A_46 {strides = array<i32>} : memref<64x128xf32, #tpu.memory_space<vmem>>, vector<1x16xf32>,
      %swap3A_47 = arith.index_cast %scan3A_31 : i32 to index
      %swap3A_48 = arith.constant 48 : index
      %swap3A_49 = tpu.vector_load %arg10[%swap3A_47, %swap3A_48] {strides = array<i32>} : memref<64x128xf32, #tpu.memory_space<vmem>>, vector<1x16xf32>,
      %swap3A_50 = vector.shape_cast %swap3A_49 : vector<1x16xf32> to vector<16xf32>
      %swap3A_51 = vector.shape_cast %broadcast_in_dim3A_0 : vector<16xf32> to vector<1x16xf32>
      tpu.vector_store %arg10[%swap3A_47, %swap3A_48], %swap3A_51 {strides = array<i32>} : memref<64x128xf32, #tpu.memory_space<vmem>>, vector<1x16xf32>,
      %swap3A_52 = arith.index_cast %scan3A_31 : i32 to index
      %swap3A_53 = arith.constant 64 : index
      %swap3A_54 = tpu.vector_load %arg10[%swap3A_52, %swap3A_53] {strides = array<i32>} : memref<64x128xf32, #tpu.memory_space<vmem>>, vector<1x16xf32>,
      %swap3A_55 = vector.shape_cast %swap3A_54 : vector<1x16xf32> to vector<16xf32>
      %swap3A_56 = vector.shape_cast %broadcast_in_dim3A_0 : vector<16xf32> to vector<1x16xf32>
      tpu.vector_store %arg10[%swap3A_52, %swap3A_53], %swap3A_56 {strides = array<i32>} : memref<64x128xf32, #tpu.memory_space<vmem>>, vector<1x16xf32>,
      %swap3A_57 = arith.index_cast %scan3A_31 : i32 to index
      %swap3A_58 = arith.constant 80 : index
      %swap3A_59 = tpu.vector_load %arg10[%swap3A_57, %swap3A_58] {strides = array<i32>} : memref<64x128xf32, #tpu.memory_space<vmem>>, vector<1x16xf32>,
      %swap3A_60 = vector.shape_cast %swap3A_59 : vector<1x16xf32> to vector<16xf32>
      %swap3A_61 = vector.shape_cast %broadcast_in_dim3A_0 : vector<16xf32> to vector<1x16xf32>
      tpu.vector_store %arg10[%swap3A_57, %swap3A_58], %swap3A_61 {strides = array<i32>} : memref<64x128xf32, #tpu.memory_space<vmem>>, vector<1x16xf32>,
      %swap3A_62 = arith.index_cast %scan3A_31 : i32 to index
      %swap3A_63 = arith.constant 96 : index
      %swap3A_64 = tpu.vector_load %arg10[%swap3A_62, %swap3A_63] {strides = array<i32>} : memref<64x128xf32, #tpu.memory_space<vmem>>, vector<1x16xf32>,
      %swap3A_65 = vector.shape_cast %swap3A_64 : vector<1x16xf32> to vector<16xf32>
      %swap3A_66 = vector.shape_cast %broadcast_in_dim3A_0 : vector<16xf32> to vector<1x16xf32>
      tpu.vector_store %arg10[%swap3A_62, %swap3A_63], %swap3A_66 {strides = array<i32>} : memref<64x128xf32, #tpu.memory_space<vmem>>, vector<1x16xf32>,
      %swap3A_67 = arith.index_cast %scan3A_31 : i32 to index
      %swap3A_68 = arith.constant 112 : index
      %swap3A_69 = tpu.vector_load %arg10[%swap3A_67, %swap3A_68] {strides = array<i32>} : memref<64x128xf32, #tpu.memory_space<vmem>>, vector<1x16xf32>,
      %swap3A_70 = vector.shape_cast %swap3A_69 : vector<1x16xf32> to vector<16xf32>
      %swap3A_71 = vector.shape_cast %broadcast_in_dim3A_0 : vector<16xf32> to vector<1x16xf32>
      tpu.vector_store %arg10[%swap3A_67, %swap3A_68], %swap3A_71 {strides = array<i32>} : memref<64x128xf32, #tpu.memory_space<vmem>>, vector<1x16xf32>,
      %scan3A_72 = arith.constant 0 : i32
      scf.yield %scan3A_72 : i32
    }
    %scan3A_6 = arith.constant 64 : i32
    %mul3A = arith.constant 640 : i32
    %mul3A_7 = arith.muli %mul3A, %arg1 : i32
    %scan3A_8 = arith.constant 0 : i32
    %scan3A_9 = arith.constant 0 : i32
    %scan3A_10 = arith.constant 10 : i32
    %scan3A_11 = arith.addi %scan3A_9, %scan3A_10 : i32
    %scan3A_12 = arith.constant 1 : i32
    %scan3A_13 = scf.for %scan3A_31 = %scan3A_9 to %scan3A_11 step %scan3A_12 iter_args(%scan3A_32 = %scan3A_8) -> (i32)  : i32 {
      %mul3A_33 = arith.constant 64 : i32
      %mul3A_34 = arith.muli %scan3A_31, %mul3A_33 : i32
      %add3A_35 = arith.addi %mul3A_7, %mul3A_34 : i32
      "tpu.region"() ({
        %run_scoped3A = tpu.sem_alloc : memref<!tpu.dma_semaphore, #tpu.memory_space<semaphore_mem>>
        %dma_start3A = arith.constant 0 : i32
        %dma_start3A_37 = tpu.memref_slice %arg11[%add3A_35, %dma_start3A] : memref<10240x128xf32, #tpu.memory_space<vmem_shared>> -> memref<64x128xf32, #tpu.memory_space<vmem_shared>>
        %dma_start3A_38 = arith.constant 0 : i32
        %dma_start3A_39 = tpu.memref_slice %arg11[%add3A_35, %dma_start3A_38] : memref<10240x128xf32, #tpu.memory_space<vmem_shared>> -> memref<64x128xf32, #tpu.memory_space<vmem_shared>>
        tpu.enqueue_dma source(%arg10 : memref<64x128xf32, #tpu.memory_space<vmem>>) target(%dma_start3A_39 : memref<64x128xf32, #tpu.memory_space<vmem_shared>>) target_semaphore(%run_scoped3A : memref<!tpu.dma_semaphore, #tpu.memory_space<semaphore_mem>>)
        %dma_wait3A = arith.constant 0 : i32
        %dma_wait3A_40 = tpu.memref_slice %arg11[%add3A_35, %dma_wait3A] : memref<10240x128xf32, #tpu.memory_space<vmem_shared>> -> memref<64x128xf32, #tpu.memory_space<vmem_shared>>
        %dma_wait3A_41 = arith.constant 0 : i32
        %dma_wait3A_42 = tpu.memref_slice %arg11[%add3A_35, %dma_wait3A_41] : memref<10240x128xf32, #tpu.memory_space<vmem_shared>> -> memref<64x128xf32, #tpu.memory_space<vmem_shared>>
        tpu.wait_dma2 semaphore(%run_scoped3A : memref<!tpu.dma_semaphore, #tpu.memory_space<semaphore_mem>>) src(%arg10 : memref<64x128xf32, #tpu.memory_space<vmem>>) dst(%dma_wait3A_42 : memref<64x128xf32, #tpu.memory_space<vmem_shared>>)
        tpu.yield
      }) : () -> ()
      %scan3A_36 = arith.constant 0 : i32
      scf.yield %scan3A_36 : i32
    }
    %scan3A_14 = arith.constant 10 : i32
    %barrier3A = arith.constant 0 : index
    tpu.barrier barrier_id(%barrier3A)
    %mul3A_15 = arith.constant 16 : i32
    %mul3A_16 = arith.muli %arg0, %mul3A_15 : i32
    %add3A = arith.addi %mul3A_16, %arg1 : i32
    %mul3A_17 = arith.constant 40 : i32
    %mul3A_18 = arith.muli %add3A, %mul3A_17 : i32
    "tpu.region"() ({
      %run_scoped3A = tpu.sem_alloc : memref<!tpu.dma_semaphore, #tpu.memory_space<semaphore_mem>>
      %dma_start3A = arith.constant 0 : i32
      %dma_start3A_31 = tpu.memref_slice %arg4[%mul3A_18, %dma_start3A] : memref<1280x128xi32, #tpu.memory_space<hbm>> -> memref<40x128xi32, #tpu.memory_space<hbm>>
      %dma_start3A_32 = arith.constant 0 : i32
      %dma_start3A_33 = tpu.memref_slice %arg4[%mul3A_18, %dma_start3A_32] : memref<1280x128xi32, #tpu.memory_space<hbm>> -> memref<40x128xi32, #tpu.memory_space<hbm>>
      tpu.enqueue_dma source(%dma_start3A_33 : memref<40x128xi32, #tpu.memory_space<hbm>>) target(%arg7 : memref<40x128xi32, #tpu.memory_space<vmem>>) target_semaphore(%run_scoped3A : memref<!tpu.dma_semaphore, #tpu.memory_space<semaphore_mem>>)
      %dma_wait3A = arith.constant 0 : i32
      %dma_wait3A_34 = tpu.memref_slice %arg4[%mul3A_18, %dma_wait3A] : memref<1280x128xi32, #tpu.memory_space<hbm>> -> memref<40x128xi32, #tpu.memory_space<hbm>>
      %dma_wait3A_35 = arith.constant 0 : i32
      %dma_wait3A_36 = tpu.memref_slice %arg4[%mul3A_18, %dma_wait3A_35] : memref<1280x128xi32, #tpu.memory_space<hbm>> -> memref<40x128xi32, #tpu.memory_space<hbm>>
      tpu.wait_dma2 semaphore(%run_scoped3A : memref<!tpu.dma_semaphore, #tpu.memory_space<semaphore_mem>>) src(%dma_wait3A_36 : memref<40x128xi32, #tpu.memory_space<hbm>>) dst(%arg7 : memref<40x128xi32, #tpu.memory_space<vmem>>)
      tpu.yield
    }) : () -> ()
    "tpu.region"() ({
      %run_scoped3A = tpu.sem_alloc : memref<!tpu.dma_semaphore, #tpu.memory_space<semaphore_mem>>
      %dma_start3A = arith.constant 0 : i32
      %dma_start3A_31 = tpu.memref_slice %arg5[%mul3A_18, %dma_start3A] : memref<1280x128xi32, #tpu.memory_space<hbm>> -> memref<40x128xi32, #tpu.memory_space<hbm>>
      %dma_start3A_32 = arith.constant 0 : i32
      %dma_start3A_33 = tpu.memref_slice %arg5[%mul3A_18, %dma_start3A_32] : memref<1280x128xi32, #tpu.memory_space<hbm>> -> memref<40x128xi32, #tpu.memory_space<hbm>>
      tpu.enqueue_dma source(%dma_start3A_33 : memref<40x128xi32, #tpu.memory_space<hbm>>) target(%arg8 : memref<40x128xi32, #tpu.memory_space<vmem>>) target_semaphore(%run_scoped3A : memref<!tpu.dma_semaphore, #tpu.memory_space<semaphore_mem>>)
      %dma_wait3A = arith.constant 0 : i32
      %dma_wait3A_34 = tpu.memref_slice %arg5[%mul3A_18, %dma_wait3A] : memref<1280x128xi32, #tpu.memory_space<hbm>> -> memref<40x128xi32, #tpu.memory_space<hbm>>
      %dma_wait3A_35 = arith.constant 0 : i32
      %dma_wait3A_36 = tpu.memref_slice %arg5[%mul3A_18, %dma_wait3A_35] : memref<1280x128xi32, #tpu.memory_space<hbm>> -> memref<40x128xi32, #tpu.memory_space<hbm>>
      tpu.wait_dma2 semaphore(%run_scoped3A : memref<!tpu.dma_semaphore, #tpu.memory_space<semaphore_mem>>) src(%dma_wait3A_36 : memref<40x128xi32, #tpu.memory_space<hbm>>) dst(%arg8 : memref<40x128xi32, #tpu.memory_space<vmem>>)
      tpu.yield
    }) : () -> ()
    %scan3A_19 = arith.constant 0 : i32
    %scan3A_20 = arith.constant 0 : i32
    %scan3A_21 = arith.constant 40 : i32
    %scan3A_22 = arith.addi %scan3A_20, %scan3A_21 : i32
    %scan3A_23 = arith.constant 1 : i32
    %scan3A_24 = scf.for %scan3A_31 = %scan3A_20 to %scan3A_22 step %scan3A_23 iter_args(%scan3A_32 = %scan3A_19) -> (i32)  : i32 {
      %add3A_33 = arith.addi %mul3A_18, %scan3A_31 : i32
      %mul3A_34 = arith.constant 128 : i32
      %mul3A_35 = arith.muli %add3A_33, %mul3A_34 : i32
      "tpu.region"() ({
        %run_scoped3A = tpu.sem_alloc : memref<!tpu.dma_semaphore, #tpu.memory_space<semaphore_mem>>
        %dma_start3A_54 = arith.constant 0 : i32
        %dma_start3A_55 = tpu.memref_slice %arg3[%mul3A_35, %dma_start3A_54] : memref<163840x128xf32, #tpu.memory_space<hbm>> -> memref<128x128xf32, #tpu.memory_space<hbm>>
        %dma_start3A_56 = arith.constant 0 : i32
        %dma_start3A_57 = tpu.memref_slice %arg3[%mul3A_35, %dma_start3A_56] : memref<163840x128xf32, #tpu.memory_space<hbm>> -> memref<128x128xf32, #tpu.memory_space<hbm>>
        tpu.enqueue_dma source(%dma_start3A_57 : memref<128x128xf32, #tpu.memory_space<hbm>>) target(%arg9 : memref<128x128xf32, #tpu.memory_space<vmem>>) target_semaphore(%run_scoped3A : memref<!tpu.dma_semaphore, #tpu.memory_space<semaphore_mem>>)
        %dma_wait3A_58 = arith.constant 0 : i32
        %dma_wait3A_59 = tpu.memref_slice %arg3[%mul3A_35, %dma_wait3A_58] : memref<163840x128xf32, #tpu.memory_space<hbm>> -> memref<128x128xf32, #tpu.memory_space<hbm>>
        %dma_wait3A_60 = arith.constant 0 : i32
        %dma_wait3A_61 = tpu.memref_slice %arg3[%mul3A_35, %dma_wait3A_60] : memref<163840x128xf32, #tpu.memory_space<hbm>> -> memref<128x128xf32, #tpu.memory_space<hbm>>
        tpu.wait_dma2 semaphore(%run_scoped3A : memref<!tpu.dma_semaphore, #tpu.memory_space<semaphore_mem>>) src(%dma_wait3A_61 : memref<128x128xf32, #tpu.memory_space<hbm>>) dst(%arg9 : memref<128x128xf32, #tpu.memory_space<vmem>>)
        tpu.yield
      }) : () -> ()
      %dma_start3A = arith.constant 0 : i32
      %dma_start3A_36 = tpu.memref_slice %arg7[%scan3A_31, %dma_start3A] : memref<40x128xi32, #tpu.memory_space<vmem>> -> memref<1x128xi32, #tpu.memory_space<vmem>>
      %dma_start3A_37 = tpu.memref_squeeze %dma_start3A_36 : memref<1x128xi32, #tpu.memory_space<vmem>> -> memref<128xi32, #tpu.memory_space<vmem>>
      %dma_start3A_38 = arith.constant 0 : i32
      %dma_start3A_39 = arith.constant 0 : i32
      %dma_start3A_40 = tpu.memref_slice %arg2[%dma_start3A_38, %dma_start3A_39] : memref<10240x128xf32, #tpu.memory_space<hbm>> -> memref<10240x128xf32, #tpu.memory_space<hbm>>
      tpu.enqueue_indirect_dma source(%dma_start3A_40 : memref<10240x128xf32, #tpu.memory_space<hbm>>) target(%arg9 : memref<128x128xf32, #tpu.memory_space<vmem>>) offsets(%dma_start3A_37 : memref<128xi32, #tpu.memory_space<vmem>>) semaphore(%arg12 : memref<!tpu.dma_semaphore, #tpu.memory_space<semaphore_mem>>) {add = true}
      %dma_wait3A = arith.constant 0 : i32
      %dma_wait3A_41 = tpu.memref_slice %arg7[%scan3A_31, %dma_wait3A] : memref<40x128xi32, #tpu.memory_space<vmem>> -> memref<1x128xi32, #tpu.memory_space<vmem>>
      %dma_wait3A_42 = tpu.memref_squeeze %dma_wait3A_41 : memref<1x128xi32, #tpu.memory_space<vmem>> -> memref<128xi32, #tpu.memory_space<vmem>>
      %dma_wait3A_43 = arith.constant 0 : i32
      %dma_wait3A_44 = arith.constant 0 : i32
      %dma_wait3A_45 = tpu.memref_slice %arg2[%dma_wait3A_43, %dma_wait3A_44] : memref<10240x128xf32, #tpu.memory_space<hbm>> -> memref<10240x128xf32, #tpu.memory_space<hbm>>
      tpu.wait_indirect_dma semaphore(%arg12 : memref<!tpu.dma_semaphore, #tpu.memory_space<semaphore_mem>>) src(%dma_wait3A_45 : memref<10240x128xf32, #tpu.memory_space<hbm>>) dst(%arg9 : memref<128x128xf32, #tpu.memory_space<vmem>>)
      %scan3A_46 = arith.constant 0 : i32
      %scan3A_47 = arith.constant 0 : i32
      %scan3A_48 = arith.constant 128 : i32
      %scan3A_49 = arith.addi %scan3A_47, %scan3A_48 : i32
      %scan3A_50 = arith.constant 1 : i32
      %scan3A_51 = scf.for %scan3A_54 = %scan3A_47 to %scan3A_49 step %scan3A_50 iter_args(%scan3A_55 = %scan3A_46) -> (i32)  : i32 {
        %get3A = arith.index_cast %scan3A_54 : i32 to index
        %get3A_56 = arith.constant 0 : index
        %get3A_57 = tpu.vector_load %arg9[%get3A, %get3A_56] {strides = array<i32>} : memref<128x128xf32, #tpu.memory_space<vmem>>, vector<1x16xf32>,
        %get3A_58 = vector.shape_cast %get3A_57 : vector<1x16xf32> to vector<16xf32>
        %max3A = arith.constant 0.000000e+00 : f32
        %max3A_59 = vector.broadcast %max3A : f32 to vector<16xf32>
        %max3A_60 = arith.maximumf %get3A_58, %max3A_59 : vector<16xf32>
        %swap3A = arith.index_cast %scan3A_54 : i32 to index
        %swap3A_61 = arith.constant 0 : index
        %swap3A_62 = tpu.vector_load %arg9[%swap3A, %swap3A_61] {strides = array<i32>} : memref<128x128xf32, #tpu.memory_space<vmem>>, vector<1x16xf32>,
        %swap3A_63 = vector.shape_cast %swap3A_62 : vector<1x16xf32> to vector<16xf32>
        %swap3A_64 = vector.shape_cast %max3A_60 : vector<16xf32> to vector<1x16xf32>
        tpu.vector_store %arg9[%swap3A, %swap3A_61], %swap3A_64 {strides = array<i32>} : memref<128x128xf32, #tpu.memory_space<vmem>>, vector<1x16xf32>,
        %get3A_65 = arith.index_cast %scan3A_54 : i32 to index
        %get3A_66 = arith.constant 16 : index
        %get3A_67 = tpu.vector_load %arg9[%get3A_65, %get3A_66] {strides = array<i32>} : memref<128x128xf32, #tpu.memory_space<vmem>>, vector<1x16xf32>,
        %get3A_68 = vector.shape_cast %get3A_67 : vector<1x16xf32> to vector<16xf32>
        %max3A_69 = arith.constant 0.000000e+00 : f32
        %max3A_70 = vector.broadcast %max3A_69 : f32 to vector<16xf32>
        %max3A_71 = arith.maximumf %get3A_68, %max3A_70 : vector<16xf32>
        %swap3A_72 = arith.index_cast %scan3A_54 : i32 to index
        %swap3A_73 = arith.constant 16 : index
        %swap3A_74 = tpu.vector_load %arg9[%swap3A_72, %swap3A_73] {strides = array<i32>} : memref<128x128xf32, #tpu.memory_space<vmem>>, vector<1x16xf32>,
        %swap3A_75 = vector.shape_cast %swap3A_74 : vector<1x16xf32> to vector<16xf32>
        %swap3A_76 = vector.shape_cast %max3A_71 : vector<16xf32> to vector<1x16xf32>
        tpu.vector_store %arg9[%swap3A_72, %swap3A_73], %swap3A_76 {strides = array<i32>} : memref<128x128xf32, #tpu.memory_space<vmem>>, vector<1x16xf32>,
        %get3A_77 = arith.index_cast %scan3A_54 : i32 to index
        %get3A_78 = arith.constant 32 : index
        %get3A_79 = tpu.vector_load %arg9[%get3A_77, %get3A_78] {strides = array<i32>} : memref<128x128xf32, #tpu.memory_space<vmem>>, vector<1x16xf32>,
        %get3A_80 = vector.shape_cast %get3A_79 : vector<1x16xf32> to vector<16xf32>
        %max3A_81 = arith.constant 0.000000e+00 : f32
        %max3A_82 = vector.broadcast %max3A_81 : f32 to vector<16xf32>
        %max3A_83 = arith.maximumf %get3A_80, %max3A_82 : vector<16xf32>
        %swap3A_84 = arith.index_cast %scan3A_54 : i32 to index
        %swap3A_85 = arith.constant 32 : index
        %swap3A_86 = tpu.vector_load %arg9[%swap3A_84, %swap3A_85] {strides = array<i32>} : memref<128x128xf32, #tpu.memory_space<vmem>>, vector<1x16xf32>,
        %swap3A_87 = vector.shape_cast %swap3A_86 : vector<1x16xf32> to vector<16xf32>
        %swap3A_88 = vector.shape_cast %max3A_83 : vector<16xf32> to vector<1x16xf32>
        tpu.vector_store %arg9[%swap3A_84, %swap3A_85], %swap3A_88 {strides = array<i32>} : memref<128x128xf32, #tpu.memory_space<vmem>>, vector<1x16xf32>,
        %get3A_89 = arith.index_cast %scan3A_54 : i32 to index
        %get3A_90 = arith.constant 48 : index
        %get3A_91 = tpu.vector_load %arg9[%get3A_89, %get3A_90] {strides = array<i32>} : memref<128x128xf32, #tpu.memory_space<vmem>>, vector<1x16xf32>,
        %get3A_92 = vector.shape_cast %get3A_91 : vector<1x16xf32> to vector<16xf32>
        %max3A_93 = arith.constant 0.000000e+00 : f32
        %max3A_94 = vector.broadcast %max3A_93 : f32 to vector<16xf32>
        %max3A_95 = arith.maximumf %get3A_92, %max3A_94 : vector<16xf32>
        %swap3A_96 = arith.index_cast %scan3A_54 : i32 to index
        %swap3A_97 = arith.constant 48 : index
        %swap3A_98 = tpu.vector_load %arg9[%swap3A_96, %swap3A_97] {strides = array<i32>} : memref<128x128xf32, #tpu.memory_space<vmem>>, vector<1x16xf32>,
        %swap3A_99 = vector.shape_cast %swap3A_98 : vector<1x16xf32> to vector<16xf32>
        %swap3A_100 = vector.shape_cast %max3A_95 : vector<16xf32> to vector<1x16xf32>
        tpu.vector_store %arg9[%swap3A_96, %swap3A_97], %swap3A_100 {strides = array<i32>} : memref<128x128xf32, #tpu.memory_space<vmem>>, vector<1x16xf32>,
        %get3A_101 = arith.index_cast %scan3A_54 : i32 to index
        %get3A_102 = arith.constant 64 : index
        %get3A_103 = tpu.vector_load %arg9[%get3A_101, %get3A_102] {strides = array<i32>} : memref<128x128xf32, #tpu.memory_space<vmem>>, vector<1x16xf32>,
        %get3A_104 = vector.shape_cast %get3A_103 : vector<1x16xf32> to vector<16xf32>
        %max3A_105 = arith.constant 0.000000e+00 : f32
        %max3A_106 = vector.broadcast %max3A_105 : f32 to vector<16xf32>
        %max3A_107 = arith.maximumf %get3A_104, %max3A_106 : vector<16xf32>
        %swap3A_108 = arith.index_cast %scan3A_54 : i32 to index
        %swap3A_109 = arith.constant 64 : index
        %swap3A_110 = tpu.vector_load %arg9[%swap3A_108, %swap3A_109] {strides = array<i32>} : memref<128x128xf32, #tpu.memory_space<vmem>>, vector<1x16xf32>,
        %swap3A_111 = vector.shape_cast %swap3A_110 : vector<1x16xf32> to vector<16xf32>
        %swap3A_112 = vector.shape_cast %max3A_107 : vector<16xf32> to vector<1x16xf32>
        tpu.vector_store %arg9[%swap3A_108, %swap3A_109], %swap3A_112 {strides = array<i32>} : memref<128x128xf32, #tpu.memory_space<vmem>>, vector<1x16xf32>,
        %get3A_113 = arith.index_cast %scan3A_54 : i32 to index
        %get3A_114 = arith.constant 80 : index
        %get3A_115 = tpu.vector_load %arg9[%get3A_113, %get3A_114] {strides = array<i32>} : memref<128x128xf32, #tpu.memory_space<vmem>>, vector<1x16xf32>,
        %get3A_116 = vector.shape_cast %get3A_115 : vector<1x16xf32> to vector<16xf32>
        %max3A_117 = arith.constant 0.000000e+00 : f32
        %max3A_118 = vector.broadcast %max3A_117 : f32 to vector<16xf32>
        %max3A_119 = arith.maximumf %get3A_116, %max3A_118 : vector<16xf32>
        %swap3A_120 = arith.index_cast %scan3A_54 : i32 to index
        %swap3A_121 = arith.constant 80 : index
        %swap3A_122 = tpu.vector_load %arg9[%swap3A_120, %swap3A_121] {strides = array<i32>} : memref<128x128xf32, #tpu.memory_space<vmem>>, vector<1x16xf32>,
        %swap3A_123 = vector.shape_cast %swap3A_122 : vector<1x16xf32> to vector<16xf32>
        %swap3A_124 = vector.shape_cast %max3A_119 : vector<16xf32> to vector<1x16xf32>
        tpu.vector_store %arg9[%swap3A_120, %swap3A_121], %swap3A_124 {strides = array<i32>} : memref<128x128xf32, #tpu.memory_space<vmem>>, vector<1x16xf32>,
        %get3A_125 = arith.index_cast %scan3A_54 : i32 to index
        %get3A_126 = arith.constant 96 : index
        %get3A_127 = tpu.vector_load %arg9[%get3A_125, %get3A_126] {strides = array<i32>} : memref<128x128xf32, #tpu.memory_space<vmem>>, vector<1x16xf32>,
        %get3A_128 = vector.shape_cast %get3A_127 : vector<1x16xf32> to vector<16xf32>
        %max3A_129 = arith.constant 0.000000e+00 : f32
        %max3A_130 = vector.broadcast %max3A_129 : f32 to vector<16xf32>
        %max3A_131 = arith.maximumf %get3A_128, %max3A_130 : vector<16xf32>
        %swap3A_132 = arith.index_cast %scan3A_54 : i32 to index
        %swap3A_133 = arith.constant 96 : index
        %swap3A_134 = tpu.vector_load %arg9[%swap3A_132, %swap3A_133] {strides = array<i32>} : memref<128x128xf32, #tpu.memory_space<vmem>>, vector<1x16xf32>,
        %swap3A_135 = vector.shape_cast %swap3A_134 : vector<1x16xf32> to vector<16xf32>
        %swap3A_136 = vector.shape_cast %max3A_131 : vector<16xf32> to vector<1x16xf32>
        tpu.vector_store %arg9[%swap3A_132, %swap3A_133], %swap3A_136 {strides = array<i32>} : memref<128x128xf32, #tpu.memory_space<vmem>>, vector<1x16xf32>,
        %get3A_137 = arith.index_cast %scan3A_54 : i32 to index
        %get3A_138 = arith.constant 112 : index
        %get3A_139 = tpu.vector_load %arg9[%get3A_137, %get3A_138] {strides = array<i32>} : memref<128x128xf32, #tpu.memory_space<vmem>>, vector<1x16xf32>,
        %get3A_140 = vector.shape_cast %get3A_139 : vector<1x16xf32> to vector<16xf32>
        %max3A_141 = arith.constant 0.000000e+00 : f32
        %max3A_142 = vector.broadcast %max3A_141 : f32 to vector<16xf32>
        %max3A_143 = arith.maximumf %get3A_140, %max3A_142 : vector<16xf32>
        %swap3A_144 = arith.index_cast %scan3A_54 : i32 to index
        %swap3A_145 = arith.constant 112 : index
        %swap3A_146 = tpu.vector_load %arg9[%swap3A_144, %swap3A_145] {strides = array<i32>} : memref<128x128xf32, #tpu.memory_space<vmem>>, vector<1x16xf32>,
        %swap3A_147 = vector.shape_cast %swap3A_146 : vector<1x16xf32> to vector<16xf32>
        %swap3A_148 = vector.shape_cast %max3A_143 : vector<16xf32> to vector<1x16xf32>
        tpu.vector_store %arg9[%swap3A_144, %swap3A_145], %swap3A_148 {strides = array<i32>} : memref<128x128xf32, #tpu.memory_space<vmem>>, vector<1x16xf32>,
        %scan3A_149 = arith.constant 0 : i32
        scf.yield %scan3A_149 : i32
      }
      %scan3A_52 = arith.constant 128 : i32
      "tpu.region"() ({
        %run_scoped3A = tpu.sem_alloc : memref<!tpu.dma_semaphore, #tpu.memory_space<semaphore_mem>>
        %dma_start3A_54 = arith.constant 0 : i32
        %dma_start3A_55 = tpu.memref_slice %arg8[%scan3A_31, %dma_start3A_54] : memref<40x128xi32, #tpu.memory_space<vmem>> -> memref<1x128xi32, #tpu.memory_space<vmem>>
        %dma_start3A_56 = tpu.memref_squeeze %dma_start3A_55 : memref<1x128xi32, #tpu.memory_space<vmem>> -> memref<128xi32, #tpu.memory_space<vmem>>
        %dma_start3A_57 = arith.constant 0 : i32
        %dma_start3A_58 = arith.constant 0 : i32
        %dma_start3A_59 = tpu.memref_slice %arg11[%dma_start3A_57, %dma_start3A_58] : memref<10240x128xf32, #tpu.memory_space<vmem_shared>> -> memref<10240x128xf32, #tpu.memory_space<vmem_shared>>
        tpu.enqueue_indirect_dma source(%arg9 : memref<128x128xf32, #tpu.memory_space<vmem>>) target(%dma_start3A_59 : memref<10240x128xf32, #tpu.memory_space<vmem_shared>>) offsets(%dma_start3A_56 : memref<128xi32, #tpu.memory_space<vmem>>) semaphore(%run_scoped3A : memref<!tpu.dma_semaphore, #tpu.memory_space<semaphore_mem>>) {add = true}
        %dma_wait3A_60 = arith.constant 0 : i32
        %dma_wait3A_61 = tpu.memref_slice %arg8[%scan3A_31, %dma_wait3A_60] : memref<40x128xi32, #tpu.memory_space<vmem>> -> memref<1x128xi32, #tpu.memory_space<vmem>>
        %dma_wait3A_62 = tpu.memref_squeeze %dma_wait3A_61 : memref<1x128xi32, #tpu.memory_space<vmem>> -> memref<128xi32, #tpu.memory_space<vmem>>
        %dma_wait3A_63 = arith.constant 0 : i32
        %dma_wait3A_64 = arith.constant 0 : i32
        %dma_wait3A_65 = tpu.memref_slice %arg11[%dma_wait3A_63, %dma_wait3A_64] : memref<10240x128xf32, #tpu.memory_space<vmem_shared>> -> memref<10240x128xf32, #tpu.memory_space<vmem_shared>>
        tpu.wait_indirect_dma semaphore(%run_scoped3A : memref<!tpu.dma_semaphore, #tpu.memory_space<semaphore_mem>>) src(%arg9 : memref<128x128xf32, #tpu.memory_space<vmem>>) dst(%dma_wait3A_65 : memref<10240x128xf32, #tpu.memory_space<vmem_shared>>)
        tpu.yield
      }) : () -> ()
      %scan3A_53 = arith.constant 0 : i32
      scf.yield %scan3A_53 : i32
    }
    %scan3A_25 = arith.constant 40 : i32
    %barrier3A_26 = arith.constant 0 : index
    tpu.barrier barrier_id(%barrier3A_26)
    %mul3A_27 = arith.constant 640 : i32
    %mul3A_28 = arith.muli %mul3A_27, %arg1 : i32
    %mul3A_29 = arith.constant 640 : i32
    %mul3A_30 = arith.muli %mul3A_29, %arg1 : i32
    "tpu.region"() ({
      %run_scoped3A = tpu.sem_alloc : memref<!tpu.dma_semaphore, #tpu.memory_space<semaphore_mem>>
      %dma_start3A = arith.constant 0 : i32
      %dma_start3A_31 = tpu.memref_slice %arg6[%arg0, %mul3A_30, %dma_start3A] : memref<2x10240x128xf32, #tpu.memory_space<hbm>> -> memref<1x640x128xf32, #tpu.memory_space<hbm>>
      %dma_start3A_32 = tpu.memref_squeeze %dma_start3A_31 : memref<1x640x128xf32, #tpu.memory_space<hbm>> -> memref<640x128xf32, #tpu.memory_space<hbm>>
      %dma_start3A_33 = arith.constant 0 : i32
      %dma_start3A_34 = tpu.memref_slice %arg11[%mul3A_28, %dma_start3A_33] : memref<10240x128xf32, #tpu.memory_space<vmem_shared>> -> memref<640x128xf32, #tpu.memory_space<vmem_shared>>
      tpu.enqueue_dma source(%dma_start3A_34 : memref<640x128xf32, #tpu.memory_space<vmem_shared>>) target(%dma_start3A_32 : memref<640x128xf32, #tpu.memory_space<hbm>>) target_semaphore(%run_scoped3A : memref<!tpu.dma_semaphore, #tpu.memory_space<semaphore_mem>>)
      %dma_wait3A = arith.constant 0 : i32
      %dma_wait3A_35 = tpu.memref_slice %arg6[%arg0, %mul3A_30, %dma_wait3A] : memref<2x10240x128xf32, #tpu.memory_space<hbm>> -> memref<1x640x128xf32, #tpu.memory_space<hbm>>
      %dma_wait3A_36 = tpu.memref_squeeze %dma_wait3A_35 : memref<1x640x128xf32, #tpu.memory_space<hbm>> -> memref<640x128xf32, #tpu.memory_space<hbm>>
      %dma_wait3A_37 = arith.constant 0 : i32
      %dma_wait3A_38 = tpu.memref_slice %arg11[%mul3A_28, %dma_wait3A_37] : memref<10240x128xf32, #tpu.memory_space<vmem_shared>> -> memref<640x128xf32, #tpu.memory_space<vmem_shared>>
      tpu.wait_dma2 semaphore(%run_scoped3A : memref<!tpu.dma_semaphore, #tpu.memory_space<semaphore_mem>>) src(%dma_wait3A_38 : memref<640x128xf32, #tpu.memory_space<vmem_shared>>) dst(%dma_wait3A_36 : memref<640x128xf32, #tpu.memory_space<hbm>>)
      tpu.yield
    }) : () -> ()
    return
  }
}

</mosaic_0001>

<sc_bundles>
// kernel: _sc_msg.3.cloned.1.call-start
scs
__scs_entry_jumppad:
0x0: {  	(pc) =	sbr.rel $0x88, $3  }
0x1: {  	(tag) =	ssettag $0x0;
	lr =	simm.s32 $0x1  }
0x2: {  	[smem:$0x3F9D] =	sst lr;
	_ =	strace $0xD0000000  }
0x3: {  	_ = 	snop  }
0x4: {  	_ = 	snop  }
0x5: {  	_ = 	snop  }
0x6: {  	_ = 	snop  }
0x7: {  	_ = 	snop  }
__scs_overlays_trampoline_lowered:
0x8: {  	[smem:$0x3FAC] =	sst s0  }
0x9: {  	[smem:$0x3FAD] =	sst s1  }
0xa: {  	[smem:$0x3FAE] =	sst s2  }
0xb: {  	[smem:$0x3FAF] =	sst s3  }
0xc: {  	[smem:$0x3FB0] =	sst s4  }
0xd: {  	[smem:$0x3FB1] =	sst s5  }
0xe: {  	[smem:$0x3FB2] =	sst s6  }
0xf: {  	[smem:$0x3FB3] =	sst s7  }
0x10: {  	[smem:$0x3FB4] =	sst s8  }
0x11: {  	[smem:$0x3FB5] =	sst s9;
	s0 =	simm.s32 @!p0 $0x0  }
0x12: {  	s1 =	sld [smem:$0x3F9B];
	s0 =	simm.s32 @p0 $0x1  }
0x13: {  	[smem:$0x3FB6] =	sst s0;
	s0 =	simm.s32 @!p1 $0x0  }
0x14: {  	s2 =	sld [smem:$0x3F9A];
	s0 =	simm.s32 @p1 $0x1  }
0x15: {  	[smem:$0x3FB7] =	sst s0;
	s0 =	simm.s32 @!p2 $0x0  }
0x16: {  	s3 =	sld [smem:$0x3FDB];
	s0 =	simm.s32 @p2 $0x1  }
0x17: {  	s4 =	simm.s32 $0x1BF5;
	[smem:$0x3FB9] =	sst s0  }
0x18: {  	s0 =	sld [smem:$0x3F9C];
	_ =	swait.ge [sflag:s4], $0x0  }
0x19: {  	s7 =	sld [smem:$0x3F9D]  }
0x1a: {  	s8 =	sadd.s32 $0xFFFFE003, lr  }
0x1b: {  	s9 =	sadd.s32 $0xFFFFFEF7, lr;
	s5 =	simm.s32 $0xFFFFFFFF;
	p2 =	slt.u32 s8, $0xFFFFF086  }
0x1c: {  	p1 =	slt.u32 s9, $0xF7A;
	s5 =	simm.s32 @!p2 $0x0  }
0x1d: {  	s5 =	simm.s32 @p1 $0x1;
	p0 =	seq.s32 s7, s2  }
0x1e: {  	s7 =	smul.u32 @!p0 $0xF7A, s2;
	p2 =	seq.s32 @!p0 s5, $0x0  }
0x1f: {  	s9 =	smul.u32 $0xF7A, s1;
	s8 =	simm.s32 @!p0 $0x1BF5;
	p2 =	por !p2, p0  }
0x20: {  	[sflag:s8] =	ssyncset.s32 @!p0 $0xFFFFF086;
	s6 =	sadd.s32 @!p0 s3, s7;
	s7 =	simm.s32 @!p0 $0x108  }
0x21: {  	s3 =	sadd.s32 s3, s9;
	s6 =	sadd.s32 @!p0 $0x88, s6;
	s7 =	simm.s32 @p2 $0x1082  }
0x22: {  	[simem:s7], [sflag:s8] =	dma.local @!p0 [hbm:s6], $0xF7A  }
0x23: {  	s9 =	sor.u32 $0xD0000000, s2;
	s6 =	simm.s32 $0x108;
	_ =	swait.ge @!p0 [sflag:s8], $0x0  }
0x24: {  	s3 =	sadd.s32 $0x88, s3;
	s6 =	simm.s32 @!p1 $0x1082;
	[sflag:s4] =	ssyncset.s32 $0xFFFFF086  }
0x25: {  	[simem:s6], [sflag:s4] =	dma.local [hbm:s3], $0xF7A  }
0x26: {  	[smem:$0x3F9D] =	sst s1;
	(tag) =	ssettag s2;
	_ =	strace s9  }
0x27: {  	s1 =	sld [smem:$0x3FAD]  }
0x28: {  	s2 =	sld [smem:$0x3FAE]  }
0x29: {  	s4 =	sld [smem:$0x3FB0]  }
0x2a: {  	p0 =	seq.s32 s5, $0x0;
	s5 =	sld [smem:$0x3FB1]  }
0x2b: {  	s6 =	sld [smem:$0x3FB2]  }
0x2c: {  	s7 =	sld [smem:$0x3FB3]  }
0x2d: {  	s3 =	simm.s32 $0x108;
	s8 =	sld [smem:$0x3FB4]  }
0x2e: {  	s3 =	simm.s32 @!p0 $0x1082;
	s9 =	sld [smem:$0x3FB5]  }
0x2f: {  	lr =	sadd.s32 s0, s3;
	s0 =	sld [smem:$0x3FAC]  }
0x30: {  	s3 =	sld [smem:$0x3FAF]  }
0x31: {  	[smem:$0x3FB8] =	sst s10  }
0x32: {  	s10 =	sld [smem:$0x3FB6];
	_ =	sdelay $0x3  }
0x33: {  	p0 =	seq.s32 s10, $0x1;
	s10 =	sld [smem:$0x3FB8];
	_ =	sdelay $0x3  }
0x34: {  	[smem:$0x3FB8] =	sst s10  }
0x35: {  	s10 =	sld [smem:$0x3FB7];
	_ =	sdelay $0x3  }
0x36: {  	p1 =	seq.s32 s10, $0x1;
	s10 =	sld [smem:$0x3FB8];
	_ =	sdelay $0x3  }
0x37: {  	[smem:$0x3FB8] =	sst s10  }
0x38: {  	s10 =	sld [smem:$0x3FB9]  }
0x39: {  	_ = 	snop;
	(pc) =	sbr.ind lr, $3  }
0x3a: {  	_ = 	snop  }
0x3b: {  	_ = 	snop  }
0x3c: {  	p2 =	seq.s32 s10, $0x1;
	s10 =	sld [smem:$0x3FB8]  }
0x3d: {  	_ =	shalt  }
0x3e: {  	_ =	shalt  }
0x3f: {  	_ =	shalt  }
0x40: {  	_ =	shalt  }
0x41: {  	_ =	shalt  }
0x42: {  	_ =	shalt  }
0x43: {  	_ =	shalt  }
0x44: {  	_ =	shalt  }
0x45: {  	_ =	shalt  }
0x46: {  	_ =	shalt  }
0x47: {  	_ =	shalt  }
0x48: {  	_ =	shalt  }
0x49: {  	_ =	shalt  }
0x4a: {  	_ =	shalt  }
0x4b: {  	_ =	shalt  }
0x4c: {  	_ =	shalt  }
0x4d: {  	_ =	shalt  }
0x4e: {  	_ =	shalt  }
0x4f: {  	_ =	shalt  }
0x50: {  	_ =	shalt  }
0x51: {  	_ =	shalt  }
0x52: {  	_ =	shalt  }
0x53: {  	_ =	shalt  }
0x54: {  	_ =	shalt  }
0x55: {  	_ =	shalt  }
0x56: {  	_ =	shalt  }
0x57: {  	_ =	shalt  }
0x58: {  	_ =	shalt  }
0x59: {  	_ =	shalt  }
0x5a: {  	_ =	shalt  }
0x5b: {  	_ =	shalt  }
0x5c: {  	_ =	shalt  }
0x5d: {  	_ =	shalt  }
0x5e: {  	_ =	shalt  }
0x5f: {  	_ =	shalt  }
0x60: {  	_ =	shalt  }
0x61: {  	_ =	shalt  }
0x62: {  	_ =	shalt  }
0x63: {  	_ =	shalt  }
0x64: {  	_ =	shalt  }
0x65: {  	_ =	shalt  }
0x66: {  	_ =	shalt  }
0x67: {  	_ =	shalt  }
0x68: {  	_ =	shalt  }
0x69: {  	_ =	shalt  }
0x6a: {  	_ =	shalt  }
0x6b: {  	_ =	shalt  }
0x6c: {  	_ =	shalt  }
0x6d: {  	_ =	shalt  }
0x6e: {  	_ =	shalt  }
0x6f: {  	_ =	shalt  }
0x70: {  	_ =	shalt  }
0x71: {  	_ =	shalt  }
0x72: {  	_ =	shalt  }
0x73: {  	_ =	shalt  }
0x74: {  	_ =	shalt  }
0x75: {  	_ =	shalt  }
0x76: {  	_ =	shalt  }
0x77: {  	_ =	shalt  }
0x78: {  	_ =	shalt  }
0x79: {  	_ =	shalt  }
0x7a: {  	_ =	shalt  }
0x7b: {  	_ =	shalt  }
0x7c: {  	_ =	shalt  }
0x7d: {  	_ =	shalt  }
0x7e: {  	_ =	shalt  }
0x7f: {  	_ =	shalt  }
0x80: {  	_ =	shalt  }
0x81: {  	_ =	shalt  }
0x82: {  	_ =	shalt  }
0x83: {  	_ =	shalt  }
0x84: {  	_ =	shalt  }
0x85: {  	_ =	shalt  }
0x86: {  	_ =	shalt  }
0x87: {  	_ =	shalt  }
.Lfunc_end0:
.L_simem_size_0:
called_computation_lowered:
.L_overlay_start_0:
0x88: {  	s2 =	sld [smem:$0x3FD9]  }
0x89: {  	s3 =	sld [smem:$0x3FFE];
	_ =	sdelay $0x1  }
0x8a: {  	s1 =	srdreg.scid  }
0x8b: {  	s0 =	sand.u32 $0x1, s1  }
0x8c: {  	s18 =	sshll.u32 s0, $0xA;
	s2 =	sadd.s32 s3, s2  }
0x8d: {  	s2 =	sadd.s32 s2, s18  }
0x8e: {  	[smem:$0x3FC4] =	sst s2  }
0x8f: {  	_ = 	snop  }
0x90: {  	s2 =	sld [smem:$0x3FC9]  }
0x91: {  	s19 =	sld [smem:$0x3FC8]  }
0x92: {  	s4 =	sld [smem:$0x3FC7]  }
0x93: {  	s5 =	sld [smem:$0x3FC6]  }
0x94: {  	s6 =	sld [smem:$0x3FD0];
	(tm) =	ssettm $0x1  }
0x95: {  	s7 =	sld [smem:$0x3FFB];
	_ =	sdelay $0x3  }
0x96: {  	_ =	strace s7  }
0x97: {  	s7 =	sld [smem:$0x3FFC];
	_ =	sdelay $0x3  }
0x98: {  	_ =	strace s7  }
0x99: {  	s7 =	sld [smem:$0x3FFD];
	_ =	sdelay $0x3  }
0x9a: {  	_ =	strace s7  }
0x9b: {  	_ =	strace $0x8FFFFFFF  }
0x9c: {  	s20 =	sld [smem:$0x3FDB];
	_ =	sdelay $0x1  }
0x9d: {  	s8 =	simm.s32 $_scs_section_size  }
0x9e: {  	s9 =	simm.s32 $_size__tile_overlayer_lowered;
	s10 =	simm.s32 $_tile_overlayer_lowered  }
0x9f: {  	s23 =	simm.s32 $0x1BFF;
	s22 =	sshll.u32 s10, $0x1;
	s7 =	sadd.s32 s8, s20  }
0xa0: {  	s11 =	simm.s32 $0x0;
	s21 =	sshll.u32 s9, $0x1;
	s9 =	sadd.s32 s22, s7  }
0xa1: {  	[timem:s11], [sflag:s23] =	dma.local [hbm:s9], s21  }
0xa2: {  	_ =	swait.ge [sflag:s23], s21  }
0xa3: {  	s8 =	ssub.s32 $0x0, s21;
	[sflag:s23] =	ssyncset.done $0x0  }
0xa4: {  	[sflag:s23] =	ssyncadd.s32 s8;
	_ =	sdelay $0x1  }
0xa5: {  	s24 =	simm.s32 $0x1B8B  }
0xa6: {  	_ =	swait.ge [sflag:s24], $0x1  }
0xa7: {  	[sflag:s24] =	ssyncset.done $0x0  }
0xa8: {  	s25 =	simm.s32 $0x1B8E;
	[sflag:s24] =	ssyncadd.s32 $0xFFFFFFFF  }
0xa9: {  	s26 =	simm.s32 $execute0_lowered;
	[smem:$0x3FD2] =	sst s25  }
0xaa: {  	s8 =	sshll.u32 s26, $0x1;
	_ =	strace $0x80000046;
	[dreg:$0x1] =	wrdreg $0xFFFFFFFF  }
0xab: {  	s28 =	simm.s32 $_size_execute0_lowered;
	s7 =	sadd.s32 s7, s8;
	[dreg:$0x0] =	wrdreg $0x0  }
0xac: {  	s8 =	sshll.u32 s28, $0x1;
	[dreg:$0x2] =	wrdreg s7  }
0xad: {  	[dreg:$0x3] =	wrdreg s8  }
0xae: {  	[dreg:$0x4] =	wrdreg $0xC0  }
0xaf: {  	_ =	task [dreg:s11], $0x5FFFF  }
0xb0: {  	[dreg:$0x1] =	wrdreg $0xFFFFFFFF  }
0xb1: {  	[dreg:$0x0] =	wrdreg $0x60  }
0xb2: {  	[dreg:$0x2] =	wrdreg s2  }
0xb3: {  	[dreg:$0x3] =	wrdreg s19  }
0xb4: {  	[dreg:$0x4] =	wrdreg s4  }
0xb5: {  	[dreg:$0x5] =	wrdreg s5  }
0xb6: {  	[dreg:$0x6] =	wrdreg s6  }
0xb7: {  	[dreg:$0x7] =	wrdreg $0x88000  }
0xb8: {  	[dreg:$0x8] =	wrdreg $0x9  }
0xb9: {  	_ =	task.clear_ibuf [dreg:s11], $0x9FFFF;
	_ =	strace $0x90000046  }
0xba: {  	s29 =	simm.s32 $0x9;
	_ =	strace $0x80000048  }
0xbb: {  	_ =	swait.ge [sflag:s29], $0x1  }
0xbc: {  	[sflag:s29] =	ssyncadd.s32 $0xFFFFFFFF  }
0xbd: {  	_ =	strace $0x90000048  }
0xbe: {  	_ =	sfence  }
0xbf: {  	s30 =	sld [smem:$0x0];
	_ =	sdelay $0x2  }
0xc0: {  	s31 =	sshll.u32 s1, $0xD;
	s1 =	sshrl.u32 s1, $0x2  }
0xc1: {  	s3 =	sand.u32 $0x4000, s31;
	s1 =	sadd.s32 s1, s30  }
0xc2: {  	s0 =	sor.u32 s3, s0;
	s1 =	sshll.u32 s1, $0x11  }
0xc3: {  	s0 =	sor.u32 s1, s0  }
0xc4: {  	s0 =	sadd.s32 $0x8F2B, s0  }
0xc5: {  	[sflag:s0] =	ssyncadd.remote.s32 $0x1  }
0xc6: {  	_ =	sfence.sel $0xFFFF  }
0xc7: {  	[dreg:$0x0] =	wrdreg $0xFFFFFFFF;
	(pc) =	sbr.abs _section_cstart, $3  }
0xc8: {  	[dreg:$0x1] =	wrdreg $0xFFFFFFFF  }
0xc9: {  	_ =	task.clear_ibuf [dreg:s11], $0x2FFFF;
	_ =	strace $0x9FFFFFFF  }
0xca: {  	(tm) =	ssettm $0x7FFFFFFF  }
0xcb: {  	_ =	shalt  }
tec
execute0_lowered:
.L_overlay_start_1:
0x0: {  	(tag) =	ssettag $0x1  }
0x1: {  	s1 =	rddreg [dreg:$0x0]  }
0x2: {  	s2 =	rddreg [dreg:$0x1]  }
0x3: {  	s0 =	rddreg [dreg:$0x2]  }
0x4: {  	s9 =	rddreg [dreg:$0x3]  }
0x5: {  	s10 =	rddreg [dreg:$0x4]  }
0x6: {  	s4 =	rddreg [dreg:$0x5]  }
0x7: {  	s5 =	simm.s32 $0x0;
	s6 =	srdreg.scid;
	s3 =	stileid.u32  }
0x8: {  	s21 =	simm.s32 $0x6800;
	s22 =	simm.s32 $0x2;
	s23 =	simm.s32 $0x1400  }
0x9: {  	s24 =	simm.s32 $0x2800;
	s25 =	simm.s32 $0x80;
	s26 =	simm.s32 $0x1  }
0xa: {  	[smem:$0x7FF] =	sst s5;
	s6 =	sand.u32 $0x1, s6;
	s7 =	smul.u32 $0x50000, s3  }
0xb: {  	s12 =	smul.u32 $0x14000, s3;
	_ =	strace $0x80000047;
	s8 =	sshll.u32 s6, $0x4  }
0xc: {  	s11 =	smul.u32 $0x140000, s6;
	s6 =	ssub.s32 $0x2, s6;
	s8 =	sor.u32 s3, s8  }
0xd: {  	s13 =	sshrl.u32 s6, $0x1;
	s7 =	sshrl.u32 s7, $0x2;
	s14 =	smul.u32 $0x280, s8  }
0xe: {  	s13 =	ssub.s32 s6, s13;
	s6 =	sadd.s32 s7, s4;
	s11 =	sadd.s32 s12, s11  }
0xf: {  	s7 =	smul.u32 $0x28, s8;
	s31 =	sshrl.u32 s11, $0x3;
	s11 =	smax.u32 s13, $0x1  }
0x10: {  	s12 =	sadd.s32 $0x2000, s6;
	s13 =	sadd.s32 $0x4000, s6;
	s15 =	sadd.s32 $0x8000, s6  }
0x11: {  	s16 =	sadd.s32 $0xA000, s6;
	s17 =	sadd.s32 $0xC000, s6;
	s18 =	sadd.s32 $0xE000, s6  }
0x12: {  	s19 =	sadd.s32 $0x10000, s6;
	s20 =	sadd.s32 $0x12000, s6;
	s8 =	sadd.s32 s0, s14  }
0x13: {  	v0 =	vimm.f32 $0.0e+00;
	s9 =	sadd.s32 s9, s14;
	s10 =	sadd.s32 s10, s31;
	s14 =	sadd.s32 $0x6000, s6  }
.LBB2_1:
0x14: {  	s0 =	simm.s32 $0x0;
	s28 =	simm.s32 $0x200  }
.LBB2_2:
0x15: {  	p0 =	sne.s32 s28, $0x7E00;
	[tilespmem:s0+$0x6870] =	vst v0  }
0x16: {  	[tilespmem:s0+$0x6800] =	vst v0  }
0x17: {  	[tilespmem:s0+$0x6810] =	vst v0  }
.Ltmp0:
0x18: {  	[tilespmem:s0+$0x6820] =	vst v0;
	(pc) =	sbr.rel @p0 .LBB2_2-.Ltmp0, $4  }
0x19: {  	[tilespmem:s0+$0x6830] =	vst v0  }
0x1a: {  	[tilespmem:s0+$0x6840] =	vst v0  }
0x1b: {  	[tilespmem:s0+$0x6850] =	vst v0  }
0x1c: {  	[tilespmem:s0+$0x6860] =	vst v0;
	s0 =	sshra.s32 s28, $0x2;
	s28 =	sadd.s32 $0x200, s28  }
0x1d: {  	[tilespmem:s0+$0x6870] =	vst v0  }
0x1e: {  	[tilespmem:s0+$0x6800] =	vst v0  }
0x1f: {  	[tilespmem:s0+$0x6810] =	vst v0  }
0x20: {  	[tilespmem:s0+$0x6820] =	vst v0  }
0x21: {  	[tilespmem:s0+$0x6830] =	vst v0  }
0x22: {  	[tilespmem:s0+$0x6840] =	vst v0  }
0x23: {  	[tilespmem:s0+$0x6850] =	vst v0  }
0x24: {  	[tilespmem:s0+$0x6860] =	vst v0  }
0x25: {  	[spmem:s6] =	stream.linear.scatter [tilespmem:s21], [sflag:$0x2], $0x2000, $0x38;
	[tilespmem:$0x1C800] =	vst v63  }
0x26: {  	_ =	swait.ge [sflag:s22], $0x2000  }
0x27: {  	[sflag:s22] =	ssyncset.done $0x0  }
0x28: {  	[sflag:s22] =	ssyncadd.s32 $0xFFFFE000  }
0x29: {  	[spmem:s12] =	stream.linear.scatter [tilespmem:s21], [sflag:$0x2], $0x2000, $0x38;
	[tilespmem:$0x1C800] =	vst v63  }
0x2a: {  	_ =	swait.ge [sflag:s22], $0x2000  }
0x2b: {  	[sflag:s22] =	ssyncset.done $0x0  }
0x2c: {  	[sflag:s22] =	ssyncadd.s32 $0xFFFFE000  }
0x2d: {  	[spmem:s13] =	stream.linear.scatter [tilespmem:s21], [sflag:$0x2], $0x2000, $0x38;
	[tilespmem:$0x1C800] =	vst v63  }
0x2e: {  	_ =	swait.ge [sflag:s22], $0x2000  }
0x2f: {  	[sflag:s22] =	ssyncset.done $0x0  }
0x30: {  	[sflag:s22] =	ssyncadd.s32 $0xFFFFE000  }
0x31: {  	[spmem:s14] =	stream.linear.scatter [tilespmem:s21], [sflag:$0x2], $0x2000, $0x38;
	[tilespmem:$0x1C800] =	vst v63  }
0x32: {  	_ =	swait.ge [sflag:s22], $0x2000  }
0x33: {  	[sflag:s22] =	ssyncset.done $0x0  }
0x34: {  	[sflag:s22] =	ssyncadd.s32 $0xFFFFE000  }
0x35: {  	[spmem:s15] =	stream.linear.scatter [tilespmem:s21], [sflag:$0x2], $0x2000, $0x38;
	[tilespmem:$0x1C800] =	vst v63  }
0x36: {  	_ =	swait.ge [sflag:s22], $0x2000  }
0x37: {  	[sflag:s22] =	ssyncset.done $0x0  }
0x38: {  	[sflag:s22] =	ssyncadd.s32 $0xFFFFE000  }
0x39: {  	[spmem:s16] =	stream.linear.scatter [tilespmem:s21], [sflag:$0x2], $0x2000, $0x38;
	[tilespmem:$0x1C800] =	vst v63  }
0x3a: {  	_ =	swait.ge [sflag:s22], $0x2000  }
0x3b: {  	[sflag:s22] =	ssyncset.done $0x0  }
0x3c: {  	[sflag:s22] =	ssyncadd.s32 $0xFFFFE000  }
0x3d: {  	[spmem:s17] =	stream.linear.scatter [tilespmem:s21], [sflag:$0x2], $0x2000, $0x38;
	[tilespmem:$0x1C800] =	vst v63  }
0x3e: {  	_ =	swait.ge [sflag:s22], $0x2000  }
0x3f: {  	[sflag:s22] =	ssyncset.done $0x0  }
0x40: {  	[sflag:s22] =	ssyncadd.s32 $0xFFFFE000  }
0x41: {  	[spmem:s18] =	stream.linear.scatter [tilespmem:s21], [sflag:$0x2], $0x2000, $0x38;
	[tilespmem:$0x1C800] =	vst v63  }
0x42: {  	_ =	swait.ge [sflag:s22], $0x2000  }
0x43: {  	[sflag:s22] =	ssyncset.done $0x0  }
0x44: {  	[sflag:s22] =	ssyncadd.s32 $0xFFFFE000  }
0x45: {  	[spmem:s19] =	stream.linear.scatter [tilespmem:s21], [sflag:$0x2], $0x2000, $0x38;
	[tilespmem:$0x1C800] =	vst v63  }
0x46: {  	_ =	swait.ge [sflag:s22], $0x2000  }
0x47: {  	[sflag:s22] =	ssyncset.done $0x0  }
0x48: {  	[sflag:s22] =	ssyncadd.s32 $0xFFFFE000  }
0x49: {  	[spmem:s20] =	stream.linear.scatter [tilespmem:s21], [sflag:$0x2], $0x2000, $0x38;
	[tilespmem:$0x1C800] =	vst v63  }
0x4a: {  	_ =	swait.ge [sflag:s22], $0x2000  }
0x4b: {  	[sflag:s22] =	ssyncset.done $0x0  }
0x4c: {  	[sflag:s22] =	ssyncadd.s32 $0xFFFFE000  }
0x4d: {  	s28 =	simm.s32 $0x0;
	[bflag:$0x0] =	sbarrier.arrive $0xFFFF  }
0x4e: {  	[tilespmem:s28], [sflag:$0x2] =	stream.linear.gather [hbm4b:s8+s28], $0x1400, $0x38;
	[tilespmem:$0x1C800] =	vst v63  }
0x4f: {  	_ =	swait.ge [sflag:s22], $0x1400  }
0x50: {  	[sflag:s22] =	ssyncset.done $0x0  }
0x51: {  	[sflag:s22] =	ssyncadd.s32 $0xFFFFEC00  }
0x52: {  	[tilespmem:s23], [sflag:$0x2] =	stream.linear.gather [hbm4b:s9+s28], $0x1400, $0x38;
	[tilespmem:$0x1C800] =	vst v63  }
0x53: {  	_ =	swait.ge [sflag:s22], $0x1400  }
0x54: {  	[sflag:s22] =	ssyncset.done $0x0  }
0x55: {  	s29 =	simm.s32 $0x0;
	[sflag:s22] =	ssyncadd.s32 $0xFFFFEC00  }
.LBB2_4:
0x56: {  	s0 =	sadd.s32 s7, s29  }
0x57: {  	s0 =	sshll.u32 s0, $0xB  }
0x58: {  	s0 =	sadd.s32 s2, s0  }
0x59: {  	[tilespmem:s24], [sflag:$0x2] =	stream.linear.gather [hbm4b:s0+s28], $0x4000, $0x38;
	[tilespmem:$0x1C800] =	vst v63  }
0x5a: {  	_ =	swait.ge [sflag:s22], $0x4000  }
0x5b: {  	[sflag:s22] =	ssyncset.done $0x0  }
0x5c: {  	s30 =	sshll.u32 s29, $0x7;
	[sflag:s22] =	ssyncadd.s32 $0xFFFFC000  }
0x5d: {  	[tilespmem:s24], [sflag:$0x1] =	stream.indirect.gather.add.f32 [hbm:s1], $0x80, s30, s25, $0xb8;
	[tilespmem:$0x1C800] =	vst v63  }
0x5e: {  	_ =	swait.ge [sflag:s26], $0x4000  }
0x5f: {  	[sflag:s26] =	ssyncset.done $0x0  }
0x60: {  	s31 =	simm.s32 $0x0;
	[sflag:s26] =	ssyncadd.s32 $0xFFFFC000  }
0x61: {  	v3 =	vld [tilespmem:s31+$0x2800]  }
0x62: {  	v5 =	vld [tilespmem:s31+$0x2810]  }
0x63: {  	v4 =	vld [tilespmem:s31+$0x2820]  }
0x64: {  	v2 =	vld [tilespmem:s31+$0x2830]  }
0x65: {  	v1 =	vld [tilespmem:s31+$0x2840]  }
0x66: {  	v6 =	vmax.f32 v3, $0.0e+00;
	v3 =	vld [tilespmem:s31+$0x2850]  }
0x67: {  	s0 =	simm.s32 $0x200;
	[tilespmem:s31+$0x2800] =	vst v6;
	v6 =	vmax.f32 v5, $0.0e+00;
	v5 =	vld [tilespmem:s31+$0x2860]  }
.LBB2_5:
0x68: {  	s3 =	sshra.s32 s0, $0x2;
	p0 =	sne.s32 s0, $0xFE00;
	[tilespmem:s31+$0x2810] =	vst v6;
	v4 =	vmax.f32 v4, $0.0e+00;
	v6 =	vld [tilespmem:s31+$0x2870]  }
0x69: {  	v7 =	vld [tilespmem:s3+$0x2800];
	[tilespmem:s31+$0x2820] =	vst v4;
	v2 =	vmax.f32 v2, $0.0e+00  }
0x6a: {  	v8 =	vld [tilespmem:s3+$0x2810];
	[tilespmem:s31+$0x2830] =	vst v2;
	v1 =	vmax.f32 v1, $0.0e+00  }
.Ltmp1:
0x6b: {  	v4 =	vld [tilespmem:s3+$0x2820];
	[tilespmem:s31+$0x2840] =	vst v1;
	v1 =	vmax.f32 v3, $0.0e+00;
	(pc) =	sbr.rel @p0 .LBB2_5-.Ltmp1, $4  }
0x6c: {  	v2 =	vld [tilespmem:s3+$0x2830];
	[tilespmem:s31+$0x2850] =	vst v1;
	v3 =	vmax.f32 v5, $0.0e+00  }
0x6d: {  	v1 =	vld [tilespmem:s3+$0x2840];
	[tilespmem:s31+$0x2860] =	vst v3;
	v5 =	vmax.f32 v6, $0.0e+00  }
0x6e: {  	v6 =	vmax.f32 v7, $0.0e+00;
	v3 =	vld [tilespmem:s3+$0x2850];
	[tilespmem:s31+$0x2870] =	vst v5;
	s31 =	smov.u32 s3  }
0x6f: {  	s0 =	sadd.s32 $0x200, s0;
	[tilespmem:s31+$0x2800] =	vst v6;
	v6 =	vmax.f32 v8, $0.0e+00;
	v5 =	vld [tilespmem:s31+$0x2860]  }
0x70: {  	[tilespmem:s31+$0x2810] =	vst v6;
	v4 =	vmax.f32 v4, $0.0e+00;
	v63 =	vld [tilespmem:s31+$0x2870]  }
0x71: {  	[tilespmem:s31+$0x2820] =	vst v4;
	v2 =	vmax.f32 v2, $0.0e+00  }
0x72: {  	[tilespmem:s31+$0x2830] =	vst v2;
	v1 =	vmax.f32 v1, $0.0e+00  }
0x73: {  	[tilespmem:s31+$0x2840] =	vst v1;
	v1 =	vmax.f32 v3, $0.0e+00  }
0x74: {  	s29 =	sadd.s32 $0x1, s29;
	[tilespmem:s31+$0x2850] =	vst v1;
	v1 =	vmax.f32 v5, $0.0e+00  }
0x75: {  	p0 =	sne.s32 s29, $0x28;
	[tilespmem:s31+$0x2860] =	vst v1;
	v1 =	vmax.f32 v63, $0.0e+00  }
.Ltmp2:
0x76: {  	s0 =	sadd.s32 $0x1400, s30;
	[tilespmem:s31+$0x2870] =	vst v1;
	(pc) =	sbr.rel @p0 .LBB2_4-.Ltmp2, $4  }
0x77: {  	[spmem:s4] =	stream.indirect.scatter.add.f32 [tilespmem:s24], [sflag:$0x2], $0x80, s0, s25, $0xb8;
	[tilespmem:$0x1C800] =	vst v63  }
0x78: {  	_ =	swait.ge [sflag:s22], $0x4000  }
0x79: {  	[sflag:s22] =	ssyncset.done $0x0  }
0x7a: {  	[sflag:s22] =	ssyncadd.s32 $0xFFFFC000  }
0x7b: {  	s0 =	stileid.u32;
	s5 =	sadd.s32 $0x1, s5  }
0x7c: {  	[bflag:$0x0] =	sbarrier.arrive $0xFFFF;
	s0 =	sshll.u32 s0, $0x6;
	p0 =	sne.s32 s5, s11  }
.Ltmp3:
0x7d: {  	s3 =	sshrl.u32 s6, $0x3;
	s0 =	sor.u32 $0x1C02, s0;
	(pc) =	sbr.rel @p0 .LBB2_1-.Ltmp3, $4  }
0x7e: {  	[hbm:s10], [sflag:s0] =	dma.local [spmem:s3], $0x2800  }
0x7f: {  	_ =	swait.ge [sflag:s22], $0x2800  }
0x80: {  	[sflag:s22] =	ssyncset.done $0x0  }
0x81: {  	[sflag:s22] =	ssyncadd.s32 $0xFFFFD800  }
0x82: {  	_ =	sfence.sel $0x180000  }
0x83: {  	[bflag:$0x0] =	sbarrier.arrive $0xFFFF  }
0x84: {  	_ =	strace $0x90000047  }
0x85: {  	s0 =	stileid.u32;
	[bflag:$0x2] =	sbarrier.arrive $0xFFFF  }
0x86: {  	p0 =	sne.s32 s0, $0x0;
	s0 =	rddreg [dreg:$0x6]  }
0x87: {  	s0 =	sadd.s32 @!p0 $0x100000, s0  }
0x88: {  	[sflag:s0] =	ssyncadd.tile.s32 @!p0 $0x1;
	_ =	shalt  }
.Lfunc_end2:
_tile_overlayer_lowered:
.L_overlay_start_2:
0x89: {  	(tag) =	ssettag $0x2  }
0x8a: {  	s0 =	rddreg [dreg:$0x0];
	s2 =	stileid.u32  }
0x8b: {  	s1 =	rddreg [dreg:$0x1];
	p0 =	sne.s32 s2, $0x0  }
0x8c: {  	s3 =	rddreg [dreg:$0x2];
	[bflag:$0x3] =	sbarrier.arrive $0xFFFF;
	s2 =	simm.s32 @!p0 $0x1C02  }
0x8d: {  	[timem:s3], [sflag:s2] =	dma.local @!p0 [hbm:s0], s1  }
0x8e: {  	s0 =	simm.s32 @!p0 $0x2  }
0x8f: {  	_ =	swait.ge @!p0 [sflag:s0], s1  }
0x90: {  	s1 =	ssub.s32 @!p0 $0x0, s1;
	[sflag:s0] =	ssyncset.done @!p0 $0x0  }
0x91: {  	[sflag:s0] =	ssyncadd.s32 @!p0 s1  }
0x92: {  	[bflag:$0x3] =	sbarrier.arrive $0xFFFF  }
0x93: {  	_ =	shalt  }

</sc_bundles>
